<compile_context>
chip_gen: v7x
topology: tpu7x:2x2x1
jax: 0.10.2.dev20260603
libtpu: 0.0.44.dev20260713+nightly
codegen_flags: <defaults>
</compile_context>

<pallas_src>
import functools

import jax
import jax.numpy as jnp
from jax import lax
from jax.experimental import pallas as pl
from jax.experimental.pallas import tpu as pltpu
from jax.experimental.pallas import tpu_sc as plsc

N = 10000
E = 320000
D = 128
H = 256
G = 64
GF = 32
C = 10

NC = 2
NS = 16
NW = NC * NS
EP = E // NW
CH = 128
NFULL = EP // CH
REM = EP - NFULL * CH
ROWS_PT = 624
ROWS_LAST = N - (NS - 1) * ROWS_PT

@functools.cache
def _sc_scatter_add_fn():
    mesh = plsc.VectorSubcoreMesh(core_axis_name="c", subcore_axis_name="s",
                                  num_cores=NC, num_subcores=NS)
    return functools.partial(
        pl.kernel,
        mesh=mesh,
        out_type=jax.ShapeDtypeStruct((NC * N, D), jnp.float32),
        scratch_types=[
            pltpu.VMEM((CH,), jnp.int32),
            pltpu.VMEM((CH,), jnp.int32),
            pltpu.VMEM((CH, D), jnp.float32),
            pltpu.VMEM((REM,), jnp.int32),
            pltpu.VMEM((REM,), jnp.int32),
            pltpu.VMEM((REM, D), jnp.float32),
            pltpu.VMEM_SHARED((N, D), jnp.float32),
            pltpu.SemaphoreType.DMA,
        ],
    )(_sc_scatter_add_body)


def _sc_scatter_add_body(x_hbm, src_hbm, dst_hbm, zeros_hbm, out_hbm,
                         sidx, didx, rows, sidx_r, didx_r, rows_r, agg_sh, sem):
    c = lax.axis_index("c")
    s = lax.axis_index("s")
    t = c * NS + s
    row0 = pl.multiple_of(s * ROWS_PT, 8)
    out0 = pl.multiple_of(c * N + s * ROWS_PT, 8)
    last = NS - 1

    @pl.when(s != last)
    def _():
        pltpu.sync_copy(zeros_hbm.at[pl.ds(0, ROWS_PT)],
                        agg_sh.at[pl.ds(row0, ROWS_PT)])

    @pl.when(s == last)
    def _():
        pltpu.sync_copy(zeros_hbm, agg_sh.at[pl.ds(row0, ROWS_LAST)])

    plsc.subcore_barrier()

    ebase = pl.multiple_of(t * EP, 8)

    def body(k, carry):
        base = pl.multiple_of(ebase + k * CH, 8)
        pltpu.sync_copy(src_hbm.at[pl.ds(base, CH)], sidx)
        pltpu.sync_copy(dst_hbm.at[pl.ds(base, CH)], didx)
        pltpu.async_copy(x_hbm.at[sidx], rows, sem).wait()
        pltpu.sync_copy(rows, agg_sh.at[didx], add=True)
        return carry

    lax.fori_loop(0, NFULL, body, 0)

    rbase = pl.multiple_of(ebase + NFULL * CH, 8)
    pltpu.sync_copy(src_hbm.at[pl.ds(rbase, REM)], sidx_r)
    pltpu.sync_copy(dst_hbm.at[pl.ds(rbase, REM)], didx_r)
    pltpu.async_copy(x_hbm.at[sidx_r], rows_r, sem).wait()
    pltpu.sync_copy(rows_r, agg_sh.at[didx_r], add=True)

    plsc.subcore_barrier()

    @pl.when(s != last)
    def _():
        pltpu.sync_copy(agg_sh.at[pl.ds(row0, ROWS_PT)],
                        out_hbm.at[pl.ds(out0, ROWS_PT)])

    @pl.when(s == last)
    def _():
        pltpu.sync_copy(agg_sh.at[pl.ds(row0, ROWS_LAST)],
                        out_hbm.at[pl.ds(out0, ROWS_LAST)])


def _tc_body(x_ref, part_ref, batch_ref, gfeat_ref,
             W1_ref, b1_ref, W2_ref, b2_ref, gW_ref, gb_ref,
             bn_g_ref, bn_b_ref, bn_m_ref, bn_v_ref,
             gfW_ref, gfb_ref,
             fa_g_ref, fa_b_ref, fa_m_ref, fa_v_ref,
             fb_g_ref, fb_b_ref, fb_m_ref, fb_v_ref,
             oWa_ref, oWb_ref, ob_ref, out_ref):
    x = x_ref[...]
    agg = part_ref[:N, :] + part_ref[N:, :]
    h0 = x + agg
    h1 = jnp.maximum(
        jnp.dot(h0, W1_ref[...], preferred_element_type=jnp.float32)
        + b1_ref[...], 0.0)
    h = jnp.maximum(
        jnp.dot(h1, W2_ref[...], preferred_element_type=jnp.float32)
        + b2_ref[...], 0.0)
    gate = (jnp.dot(h, gW_ref[...], preferred_element_type=jnp.float32)
            + gb_ref[...])

    onehot = batch_ref[...] == lax.broadcasted_iota(jnp.int32, (1, G), 1)
    neg_inf = jnp.float32(-jnp.inf)
    masked = jnp.where(onehot, gate, neg_inf)
    gmax = jnp.max(masked, axis=0, keepdims=True)
    gmax = jnp.where(gmax == neg_inf, 0.0, gmax)
    gmax_n = jnp.sum(jnp.where(onehot, gmax, 0.0), axis=1, keepdims=True)
    e = jnp.exp(gate - gmax_n)
    denom = jnp.sum(jnp.where(onehot, e, 0.0), axis=0, keepdims=True)
    denom_n = jnp.sum(jnp.where(onehot, denom, 0.0), axis=1, keepdims=True)
    alpha = e / (denom_n + 1e-16)
    w = jnp.where(onehot, alpha, 0.0)
    pooled = lax.dot_general(w, h, (((0,), (0,)), ((), ())),
                             preferred_element_type=jnp.float32)
    pooled = ((pooled - bn_m_ref[...]) / jnp.sqrt(bn_v_ref[...] + 1e-5)
              * bn_g_ref[...] + bn_b_ref[...])
    gf = jnp.maximum(
        jnp.dot(gfeat_ref[...], gfW_ref[...],
                preferred_element_type=jnp.float32) + gfb_ref[...], 0.0)
    fa = ((pooled - fa_m_ref[...]) / jnp.sqrt(fa_v_ref[...] + 1e-5)
          * fa_g_ref[...] + fa_b_ref[...])
    fb = ((gf - fb_m_ref[...]) / jnp.sqrt(fb_v_ref[...] + 1e-5)
          * fb_g_ref[...] + fb_b_ref[...])
    logits = (jnp.dot(fa, oWa_ref[...], preferred_element_type=jnp.float32)
              + jnp.dot(fb, oWb_ref[...], preferred_element_type=jnp.float32)
              + ob_ref[...])
    m = jnp.max(logits, axis=1, keepdims=True)
    lse = jnp.log(jnp.sum(jnp.exp(logits - m), axis=1, keepdims=True)) + m
    out_ref[...] = logits - lse


def kernel(x, edge_index, batch, graph_feat, W1, b1, W2, b2, gW, gb,
           bn1_g, bn1_b, bn1_m, bn1_v, gfW, gfb, fbn_g, fbn_b, fbn_m, fbn_v,
           oW, ob):
    src = edge_index[0]
    dst = edge_index[1]
    zeros = jnp.zeros((ROWS_LAST, D), jnp.float32)
    part = _sc_scatter_add_fn()(x, src, dst, zeros)

    batch2 = batch.reshape(N, 1)
    row = lambda v: v.reshape(1, -1)
    out = pl.pallas_call(
        _tc_body,
        out_shape=jax.ShapeDtypeStruct((G, C), jnp.float32),
    )(x, part, batch2, graph_feat,
      W1, row(b1), W2, row(b2), gW, row(gb),
      row(bn1_g), row(bn1_b), row(bn1_m), row(bn1_v),
      gfW, row(gfb),
      row(fbn_g[:H]), row(fbn_b[:H]), row(fbn_m[:H]), row(fbn_v[:H]),
      row(fbn_g[H:]), row(fbn_b[H:]), row(fbn_m[H:]), row(fbn_v[H:]),
      oW[:H], oW[H:], row(ob))
    return out

# --- scband reference (transcript-rebuilt; emitter-appended) ---
"""Pipeline reference for scband-model-81509889343514 (READ-ONLY COPY).

The authoritative reference and input builder live on the scoring server;
editing this copy changes nothing except your own understanding.
"""

import jax, jax.numpy as jnp
import numpy as np

N = 10000
E = 320000
D = 128
H = 256
G = 64
GF = 32
C = 10


def setup_inputs(seed: int = 0) -> dict:
    key = jax.random.key(seed)
    ks = jax.random.split(key, 12)
    x = jax.random.normal(ks[0], (N, D), dtype=jnp.float32)
    edge_index = jax.random.randint(ks[1], (2, E), 0, N, dtype=jnp.int32)
    batch = jnp.sort(jax.random.randint(ks[2], (N,), 0, G, dtype=jnp.int32))
    graph_feat = jax.random.normal(ks[3], (G, GF), dtype=jnp.float32)
    W1 = jax.random.normal(ks[4], (D, H), dtype=jnp.float32) * 0.05
    b1 = jnp.zeros((H,), dtype=jnp.float32)
    W2 = jax.random.normal(ks[5], (H, H), dtype=jnp.float32) * 0.05
    b2 = jnp.zeros((H,), dtype=jnp.float32)
    gW = jax.random.normal(ks[6], (H, 1), dtype=jnp.float32) * 0.05
    gb = jnp.zeros((1,), dtype=jnp.float32)
    bn1_g = jnp.ones((H,), dtype=jnp.float32)
    bn1_b = jnp.zeros((H,), dtype=jnp.float32)
    bn1_m = jnp.zeros((H,), dtype=jnp.float32)
    bn1_v = jnp.ones((H,), dtype=jnp.float32)
    gfW = jax.random.normal(ks[7], (GF, H // 2), dtype=jnp.float32) * 0.05
    gfb = jnp.zeros((H // 2,), dtype=jnp.float32)
    fbn_g = jnp.ones((H + H // 2,), dtype=jnp.float32)
    fbn_b = jnp.zeros((H + H // 2,), dtype=jnp.float32)
    fbn_m = jnp.zeros((H + H // 2,), dtype=jnp.float32)
    fbn_v = jnp.ones((H + H // 2,), dtype=jnp.float32)
    oW = jax.random.normal(ks[8], (H + H // 2, C), dtype=jnp.float32) * 0.05
    ob = jnp.zeros((C,), dtype=jnp.float32)
    return {"x": x, "edge_index": edge_index, "batch": batch, "graph_feat": graph_feat,
            "W1": W1, "b1": b1, "W2": W2, "b2": b2, "gW": gW, "gb": gb,
            "bn1_g": bn1_g, "bn1_b": bn1_b, "bn1_m": bn1_m, "bn1_v": bn1_v,
            "gfW": gfW, "gfb": gfb, "fbn_g": fbn_g, "fbn_b": fbn_b,
            "fbn_m": fbn_m, "fbn_v": fbn_v, "oW": oW, "ob": ob}


def reference(x, edge_index, batch, graph_feat, W1, b1, W2, b2, gW, gb,
              bn1_g, bn1_b, bn1_m, bn1_v, gfW, gfb, fbn_g, fbn_b, fbn_m, fbn_v,
              oW, ob):
    src, dst = edge_index[0], edge_index[1]
    # GINConv (eps=0, sum aggregation): nn1((1+eps)*x + sum_{j in N(i)} x_j)
    agg = jnp.zeros_like(x).at[dst].add(x[src])
    h = x + agg
    h = jnp.maximum(h @ W1 + b1, 0.0) @ W2 + b2
    h = jnp.maximum(h, 0.0)  # F.relu after conv1
    # AttentionalAggregation: softmax(gate_nn(h)) per graph, weighted sum
    gate = h @ gW + gb  # [N, 1]
    gmax = jax.ops.segment_max(gate, batch, num_segments=G)
    gmax = jnp.where(jnp.isfinite(gmax), gmax, 0.0)
    e = jnp.exp(gate - gmax[batch])
    denom = jax.ops.segment_sum(e, batch, num_segments=G)
    alpha = e / (denom[batch] + 1e-16)
    pooled = jax.ops.segment_sum(alpha * h, batch, num_segments=G)  # [G, H]
    # bn_graph (eval mode), dropout is identity in eval
    pooled = (pooled - bn1_m) / jnp.sqrt(bn1_v + 1e-5) * bn1_g + bn1_b
    # graph_feat MLP: Linear -> ReLU -> Dropout(eval=id)
    gf = jnp.maximum(graph_feat @ gfW + gfb, 0.0)
    fused = jnp.concatenate([pooled, gf], axis=1)
    fused = (fused - fbn_m) / jnp.sqrt(fbn_v + 1e-5) * fbn_g + fbn_b
    logits = fused @ oW + ob
    return jax.nn.log_softmax(logits, axis=-1)

if __name__ == "__main__":
    import jax
    _d = setup_inputs()
    print(jax.jit(kernel)(*tuple(_d.values())))

</pallas_src>

<mosaic_0001>
#map = affine_map<(d0, d1) -> (0, 0)>
#map1 = affine_map<(d0, d1) -> (0)>
module attributes {stable_mosaic.version = 14 : i64} {
  func.func @_sc_scatter_add_body(%arg0: i32, %arg1: i32, %arg2: memref<10000x128xf32, #tpu.memory_space<hbm>>, %arg3: memref<320000xi32, #tpu.memory_space<hbm>>, %arg4: memref<320000xi32, #tpu.memory_space<hbm>>, %arg5: memref<640x128xf32, #tpu.memory_space<hbm>>, %arg6: memref<20000x128xf32, #tpu.memory_space<hbm>>, %arg7: memref<128xi32, #tpu.memory_space<vmem>>, %arg8: memref<128xi32, #tpu.memory_space<vmem>>, %arg9: memref<128x128xf32, #tpu.memory_space<vmem>>, %arg10: memref<16xi32, #tpu.memory_space<vmem>>, %arg11: memref<16xi32, #tpu.memory_space<vmem>>, %arg12: memref<16x128xf32, #tpu.memory_space<vmem>>, %arg13: memref<10000x128xf32, #tpu.memory_space<vmem_shared>>, %arg14: memref<!tpu.dma_semaphore, #tpu.memory_space<semaphore_mem>>) attributes {dimension_semantics = [#tpu.dimension_semantics<core_parallel>, #tpu.dimension_semantics<subcore_parallel>], iteration_bounds = array<i64: 2, 16>, scalar_prefetch = 0 : i64, scratch_operands = 8 : i64, tpu.core_type = #tpu.core_type<sc_vector_subcore>, window_params = [{transform_indices = #map}, {transform_indices = #map1}, {transform_indices = #map1}, {transform_indices = #map}, {transform_indices = #map}]} {
    %mul3A = arith.constant 16 : i32
    %mul3A_0 = arith.muli %arg0, %mul3A : i32
    %add3A = arith.addi %mul3A_0, %arg1 : i32
    %mul3A_1 = arith.constant 624 : i32
    %mul3A_2 = arith.muli %arg1, %mul3A_1 : i32
    %multiple_of3A = tpu.assume_multiple %mul3A_2, 8 : i32
    %mul3A_3 = arith.constant 10000 : i32
    %mul3A_4 = arith.muli %arg0, %mul3A_3 : i32
    %mul3A_5 = arith.constant 624 : i32
    %mul3A_6 = arith.muli %arg1, %mul3A_5 : i32
    %add3A_7 = arith.addi %mul3A_4, %mul3A_6 : i32
    %multiple_of3A_8 = tpu.assume_multiple %add3A_7, 8 : i32
    %ne3A = arith.constant 15 : i32
    %ne3A_9 = arith.cmpi ne, %arg1, %ne3A : i32
    %convert_element_type3A = arith.extui %ne3A_9 : i1 to i32
    %cond3A = arith.constant 0 : i32
    %cond3A_10 = arith.cmpi ne, %convert_element_type3A, %cond3A : i32
    scf.if %cond3A_10 {
      "tpu.region"() ({
        %run_scoped3A = tpu.sem_alloc : memref<!tpu.dma_semaphore, #tpu.memory_space<semaphore_mem>>
        %dma_start3A_41 = arith.constant 0 : i32
        %dma_start3A_42 = tpu.memref_slice %arg13[%multiple_of3A, %dma_start3A_41] : memref<10000x128xf32, #tpu.memory_space<vmem_shared>> -> memref<624x128xf32, #tpu.memory_space<vmem_shared>>
        %dma_start3A_43 = arith.constant 0 : i32
        %dma_start3A_44 = arith.constant 0 : i32
        %dma_start3A_45 = tpu.memref_slice %arg5[%dma_start3A_43, %dma_start3A_44] : memref<640x128xf32, #tpu.memory_space<hbm>> -> memref<624x128xf32, #tpu.memory_space<hbm>>
        tpu.enqueue_dma source(%dma_start3A_45 : memref<624x128xf32, #tpu.memory_space<hbm>>) target(%dma_start3A_42 : memref<624x128xf32, #tpu.memory_space<vmem_shared>>) target_semaphore(%run_scoped3A : memref<!tpu.dma_semaphore, #tpu.memory_space<semaphore_mem>>)
        %dma_wait3A_46 = arith.constant 0 : i32
        %dma_wait3A_47 = tpu.memref_slice %arg13[%multiple_of3A, %dma_wait3A_46] : memref<10000x128xf32, #tpu.memory_space<vmem_shared>> -> memref<624x128xf32, #tpu.memory_space<vmem_shared>>
        %dma_wait3A_48 = arith.constant 0 : i32
        %dma_wait3A_49 = arith.constant 0 : i32
        %dma_wait3A_50 = tpu.memref_slice %arg5[%dma_wait3A_48, %dma_wait3A_49] : memref<640x128xf32, #tpu.memory_space<hbm>> -> memref<624x128xf32, #tpu.memory_space<hbm>>
        tpu.wait_dma2 semaphore(%run_scoped3A : memref<!tpu.dma_semaphore, #tpu.memory_space<semaphore_mem>>) src(%dma_wait3A_50 : memref<624x128xf32, #tpu.memory_space<hbm>>) dst(%dma_wait3A_47 : memref<624x128xf32, #tpu.memory_space<vmem_shared>>)
        tpu.yield
      }) : () -> ()
    } else {
    }
    %eq3A = arith.constant 15 : i32
    %eq3A_11 = arith.cmpi eq, %arg1, %eq3A : i32
    %convert_element_type3A_12 = arith.extui %eq3A_11 : i1 to i32
    %cond3A_13 = arith.constant 0 : i32
    %cond3A_14 = arith.cmpi ne, %convert_element_type3A_12, %cond3A_13 : i32
    scf.if %cond3A_14 {
      "tpu.region"() ({
        %run_scoped3A = tpu.sem_alloc : memref<!tpu.dma_semaphore, #tpu.memory_space<semaphore_mem>>
        %dma_start3A_41 = arith.constant 0 : i32
        %dma_start3A_42 = tpu.memref_slice %arg13[%multiple_of3A, %dma_start3A_41] : memref<10000x128xf32, #tpu.memory_space<vmem_shared>> -> memref<640x128xf32, #tpu.memory_space<vmem_shared>>
        tpu.enqueue_dma source(%arg5 : memref<640x128xf32, #tpu.memory_space<hbm>>) target(%dma_start3A_42 : memref<640x128xf32, #tpu.memory_space<vmem_shared>>) target_semaphore(%run_scoped3A : memref<!tpu.dma_semaphore, #tpu.memory_space<semaphore_mem>>)
        %dma_wait3A_43 = arith.constant 0 : i32
        %dma_wait3A_44 = tpu.memref_slice %arg13[%multiple_of3A, %dma_wait3A_43] : memref<10000x128xf32, #tpu.memory_space<vmem_shared>> -> memref<640x128xf32, #tpu.memory_space<vmem_shared>>
        tpu.wait_dma2 semaphore(%run_scoped3A : memref<!tpu.dma_semaphore, #tpu.memory_space<semaphore_mem>>) src(%arg5 : memref<640x128xf32, #tpu.memory_space<hbm>>) dst(%dma_wait3A_44 : memref<640x128xf32, #tpu.memory_space<vmem_shared>>)
        tpu.yield
      }) : () -> ()
    } else {
    }
    %barrier3A = arith.constant 0 : index
    tpu.barrier barrier_id(%barrier3A)
    %mul3A_15 = arith.constant 10000 : i32
    %mul3A_16 = arith.muli %add3A, %mul3A_15 : i32
    %multiple_of3A_17 = tpu.assume_multiple %mul3A_16, 8 : i32
    %scan3A = arith.constant 0 : i32
    %scan3A_18 = arith.constant 0 : i32
    %scan3A_19 = arith.constant 78 : i32
    %scan3A_20 = arith.addi %scan3A_18, %scan3A_19 : i32
    %scan3A_21 = arith.constant 1 : i32
    scf.for %scan3A_41 = %scan3A_18 to %scan3A_20 step %scan3A_21  : i32 {
      %mul3A_42 = arith.constant 128 : i32
      %mul3A_43 = arith.muli %scan3A_41, %mul3A_42 : i32
      %add3A_44 = arith.addi %multiple_of3A_17, %mul3A_43 : i32
      %multiple_of3A_45 = tpu.assume_multiple %add3A_44, 8 : i32
      "tpu.region"() ({
        %run_scoped3A = tpu.sem_alloc : memref<!tpu.dma_semaphore, #tpu.memory_space<semaphore_mem>>
        %dma_start3A_52 = tpu.memref_slice %arg3[%multiple_of3A_45] : memref<320000xi32, #tpu.memory_space<hbm>> -> memref<128xi32, #tpu.memory_space<hbm>>
        %dma_start3A_53 = tpu.memref_slice %arg3[%multiple_of3A_45] : memref<320000xi32, #tpu.memory_space<hbm>> -> memref<128xi32, #tpu.memory_space<hbm>>
        tpu.enqueue_dma source(%dma_start3A_53 : memref<128xi32, #tpu.memory_space<hbm>>) target(%arg7 : memref<128xi32, #tpu.memory_space<vmem>>) target_semaphore(%run_scoped3A : memref<!tpu.dma_semaphore, #tpu.memory_space<semaphore_mem>>)
        %dma_wait3A_54 = tpu.memref_slice %arg3[%multiple_of3A_45] : memref<320000xi32, #tpu.memory_space<hbm>> -> memref<128xi32, #tpu.memory_space<hbm>>
        %dma_wait3A_55 = tpu.memref_slice %arg3[%multiple_of3A_45] : memref<320000xi32, #tpu.memory_space<hbm>> -> memref<128xi32, #tpu.memory_space<hbm>>
        tpu.wait_dma2 semaphore(%run_scoped3A : memref<!tpu.dma_semaphore, #tpu.memory_space<semaphore_mem>>) src(%dma_wait3A_55 : memref<128xi32, #tpu.memory_space<hbm>>) dst(%arg7 : memref<128xi32, #tpu.memory_space<vmem>>)
        tpu.yield
      }) : () -> ()
      "tpu.region"() ({
        %run_scoped3A = tpu.sem_alloc : memref<!tpu.dma_semaphore, #tpu.memory_space<semaphore_mem>>
        %dma_start3A_52 = tpu.memref_slice %arg4[%multiple_of3A_45] : memref<320000xi32, #tpu.memory_space<hbm>> -> memref<128xi32, #tpu.memory_space<hbm>>
        %dma_start3A_53 = tpu.memref_slice %arg4[%multiple_of3A_45] : memref<320000xi32, #tpu.memory_space<hbm>> -> memref<128xi32, #tpu.memory_space<hbm>>
        tpu.enqueue_dma source(%dma_start3A_53 : memref<128xi32, #tpu.memory_space<hbm>>) target(%arg8 : memref<128xi32, #tpu.memory_space<vmem>>) target_semaphore(%run_scoped3A : memref<!tpu.dma_semaphore, #tpu.memory_space<semaphore_mem>>)
        %dma_wait3A_54 = tpu.memref_slice %arg4[%multiple_of3A_45] : memref<320000xi32, #tpu.memory_space<hbm>> -> memref<128xi32, #tpu.memory_space<hbm>>
        %dma_wait3A_55 = tpu.memref_slice %arg4[%multiple_of3A_45] : memref<320000xi32, #tpu.memory_space<hbm>> -> memref<128xi32, #tpu.memory_space<hbm>>
        tpu.wait_dma2 semaphore(%run_scoped3A : memref<!tpu.dma_semaphore, #tpu.memory_space<semaphore_mem>>) src(%dma_wait3A_55 : memref<128xi32, #tpu.memory_space<hbm>>) dst(%arg8 : memref<128xi32, #tpu.memory_space<vmem>>)
        tpu.yield
      }) : () -> ()
      %dma_start3A_46 = arith.constant 0 : i32
      %dma_start3A_47 = arith.constant 0 : i32
      %dma_start3A_48 = tpu.memref_slice %arg2[%dma_start3A_46, %dma_start3A_47] : memref<10000x128xf32, #tpu.memory_space<hbm>> -> memref<10000x128xf32, #tpu.memory_space<hbm>>
      tpu.enqueue_indirect_dma source(%dma_start3A_48 : memref<10000x128xf32, #tpu.memory_space<hbm>>) target(%arg9 : memref<128x128xf32, #tpu.memory_space<vmem>>) offsets(%arg7 : memref<128xi32, #tpu.memory_space<vmem>>) semaphore(%arg14 : memref<!tpu.dma_semaphore, #tpu.memory_space<semaphore_mem>>)
      %dma_wait3A_49 = arith.constant 0 : i32
      %dma_wait3A_50 = arith.constant 0 : i32
      %dma_wait3A_51 = tpu.memref_slice %arg2[%dma_wait3A_49, %dma_wait3A_50] : memref<10000x128xf32, #tpu.memory_space<hbm>> -> memref<10000x128xf32, #tpu.memory_space<hbm>>
      tpu.wait_indirect_dma semaphore(%arg14 : memref<!tpu.dma_semaphore, #tpu.memory_space<semaphore_mem>>) src(%dma_wait3A_51 : memref<10000x128xf32, #tpu.memory_space<hbm>>) dst(%arg9 : memref<128x128xf32, #tpu.memory_space<vmem>>)
      "tpu.region"() ({
        %run_scoped3A = tpu.sem_alloc : memref<!tpu.dma_semaphore, #tpu.memory_space<semaphore_mem>>
        %dma_start3A_52 = arith.constant 0 : i32
        %dma_start3A_53 = arith.constant 0 : i32
        %dma_start3A_54 = tpu.memref_slice %arg13[%dma_start3A_52, %dma_start3A_53] : memref<10000x128xf32, #tpu.memory_space<vmem_shared>> -> memref<10000x128xf32, #tpu.memory_space<vmem_shared>>
        tpu.enqueue_indirect_dma source(%arg9 : memref<128x128xf32, #tpu.memory_space<vmem>>) target(%dma_start3A_54 : memref<10000x128xf32, #tpu.memory_space<vmem_shared>>) offsets(%arg8 : memref<128xi32, #tpu.memory_space<vmem>>) semaphore(%run_scoped3A : memref<!tpu.dma_semaphore, #tpu.memory_space<semaphore_mem>>) {add = true}
        %dma_wait3A_55 = arith.constant 0 : i32
        %dma_wait3A_56 = arith.constant 0 : i32
        %dma_wait3A_57 = tpu.memref_slice %arg13[%dma_wait3A_55, %dma_wait3A_56] : memref<10000x128xf32, #tpu.memory_space<vmem_shared>> -> memref<10000x128xf32, #tpu.memory_space<vmem_shared>>
        tpu.wait_indirect_dma semaphore(%run_scoped3A : memref<!tpu.dma_semaphore, #tpu.memory_space<semaphore_mem>>) src(%arg9 : memref<128x128xf32, #tpu.memory_space<vmem>>) dst(%dma_wait3A_57 : memref<10000x128xf32, #tpu.memory_space<vmem_shared>>)
        tpu.yield
      }) : () -> ()
    }
    %scan3A_22 = arith.constant 78 : i32
    %add3A_23 = arith.constant 9984 : i32
    %add3A_24 = arith.addi %multiple_of3A_17, %add3A_23 : i32
    %multiple_of3A_25 = tpu.assume_multiple %add3A_24, 8 : i32
    "tpu.region"() ({
      %run_scoped3A = tpu.sem_alloc : memref<!tpu.dma_semaphore, #tpu.memory_space<semaphore_mem>>
      %dma_start3A_41 = tpu.memref_slice %arg3[%multiple_of3A_25] : memref<320000xi32, #tpu.memory_space<hbm>> -> memref<16xi32, #tpu.memory_space<hbm>>
      %dma_start3A_42 = tpu.memref_slice %arg3[%multiple_of3A_25] : memref<320000xi32, #tpu.memory_space<hbm>> -> memref<16xi32, #tpu.memory_space<hbm>>
      tpu.enqueue_dma source(%dma_start3A_42 : memref<16xi32, #tpu.memory_space<hbm>>) target(%arg10 : memref<16xi32, #tpu.memory_space<vmem>>) target_semaphore(%run_scoped3A : memref<!tpu.dma_semaphore, #tpu.memory_space<semaphore_mem>>)
      %dma_wait3A_43 = tpu.memref_slice %arg3[%multiple_of3A_25] : memref<320000xi32, #tpu.memory_space<hbm>> -> memref<16xi32, #tpu.memory_space<hbm>>
      %dma_wait3A_44 = tpu.memref_slice %arg3[%multiple_of3A_25] : memref<320000xi32, #tpu.memory_space<hbm>> -> memref<16xi32, #tpu.memory_space<hbm>>
      tpu.wait_dma2 semaphore(%run_scoped3A : memref<!tpu.dma_semaphore, #tpu.memory_space<semaphore_mem>>) src(%dma_wait3A_44 : memref<16xi32, #tpu.memory_space<hbm>>) dst(%arg10 : memref<16xi32, #tpu.memory_space<vmem>>)
      tpu.yield
    }) : () -> ()
    "tpu.region"() ({
      %run_scoped3A = tpu.sem_alloc : memref<!tpu.dma_semaphore, #tpu.memory_space<semaphore_mem>>
      %dma_start3A_41 = tpu.memref_slice %arg4[%multiple_of3A_25] : memref<320000xi32, #tpu.memory_space<hbm>> -> memref<16xi32, #tpu.memory_space<hbm>>
      %dma_start3A_42 = tpu.memref_slice %arg4[%multiple_of3A_25] : memref<320000xi32, #tpu.memory_space<hbm>> -> memref<16xi32, #tpu.memory_space<hbm>>
      tpu.enqueue_dma source(%dma_start3A_42 : memref<16xi32, #tpu.memory_space<hbm>>) target(%arg11 : memref<16xi32, #tpu.memory_space<vmem>>) target_semaphore(%run_scoped3A : memref<!tpu.dma_semaphore, #tpu.memory_space<semaphore_mem>>)
      %dma_wait3A_43 = tpu.memref_slice %arg4[%multiple_of3A_25] : memref<320000xi32, #tpu.memory_space<hbm>> -> memref<16xi32, #tpu.memory_space<hbm>>
      %dma_wait3A_44 = tpu.memref_slice %arg4[%multiple_of3A_25] : memref<320000xi32, #tpu.memory_space<hbm>> -> memref<16xi32, #tpu.memory_space<hbm>>
      tpu.wait_dma2 semaphore(%run_scoped3A : memref<!tpu.dma_semaphore, #tpu.memory_space<semaphore_mem>>) src(%dma_wait3A_44 : memref<16xi32, #tpu.memory_space<hbm>>) dst(%arg11 : memref<16xi32, #tpu.memory_space<vmem>>)
      tpu.yield
    }) : () -> ()
    %dma_start3A = arith.constant 0 : i32
    %dma_start3A_26 = arith.constant 0 : i32
    %dma_start3A_27 = tpu.memref_slice %arg2[%dma_start3A, %dma_start3A_26] : memref<10000x128xf32, #tpu.memory_space<hbm>> -> memref<10000x128xf32, #tpu.memory_space<hbm>>
    tpu.enqueue_indirect_dma source(%dma_start3A_27 : memref<10000x128xf32, #tpu.memory_space<hbm>>) target(%arg12 : memref<16x128xf32, #tpu.memory_space<vmem>>) offsets(%arg10 : memref<16xi32, #tpu.memory_space<vmem>>) semaphore(%arg14 : memref<!tpu.dma_semaphore, #tpu.memory_space<semaphore_mem>>)
    %dma_wait3A = arith.constant 0 : i32
    %dma_wait3A_28 = arith.constant 0 : i32
    %dma_wait3A_29 = tpu.memref_slice %arg2[%dma_wait3A, %dma_wait3A_28] : memref<10000x128xf32, #tpu.memory_space<hbm>> -> memref<10000x128xf32, #tpu.memory_space<hbm>>
    tpu.wait_indirect_dma semaphore(%arg14 : memref<!tpu.dma_semaphore, #tpu.memory_space<semaphore_mem>>) src(%dma_wait3A_29 : memref<10000x128xf32, #tpu.memory_space<hbm>>) dst(%arg12 : memref<16x128xf32, #tpu.memory_space<vmem>>)
    "tpu.region"() ({
      %run_scoped3A = tpu.sem_alloc : memref<!tpu.dma_semaphore, #tpu.memory_space<semaphore_mem>>
      %dma_start3A_41 = arith.constant 0 : i32
      %dma_start3A_42 = arith.constant 0 : i32
      %dma_start3A_43 = tpu.memref_slice %arg13[%dma_start3A_41, %dma_start3A_42] : memref<10000x128xf32, #tpu.memory_space<vmem_shared>> -> memref<10000x128xf32, #tpu.memory_space<vmem_shared>>
      tpu.enqueue_indirect_dma source(%arg12 : memref<16x128xf32, #tpu.memory_space<vmem>>) target(%dma_start3A_43 : memref<10000x128xf32, #tpu.memory_space<vmem_shared>>) offsets(%arg11 : memref<16xi32, #tpu.memory_space<vmem>>) semaphore(%run_scoped3A : memref<!tpu.dma_semaphore, #tpu.memory_space<semaphore_mem>>) {add = true}
      %dma_wait3A_44 = arith.constant 0 : i32
      %dma_wait3A_45 = arith.constant 0 : i32
      %dma_wait3A_46 = tpu.memref_slice %arg13[%dma_wait3A_44, %dma_wait3A_45] : memref<10000x128xf32, #tpu.memory_space<vmem_shared>> -> memref<10000x128xf32, #tpu.memory_space<vmem_shared>>
      tpu.wait_indirect_dma semaphore(%run_scoped3A : memref<!tpu.dma_semaphore, #tpu.memory_space<semaphore_mem>>) src(%arg12 : memref<16x128xf32, #tpu.memory_space<vmem>>) dst(%dma_wait3A_46 : memref<10000x128xf32, #tpu.memory_space<vmem_shared>>)
      tpu.yield
    }) : () -> ()
    %barrier3A_30 = arith.constant 0 : index
    tpu.barrier barrier_id(%barrier3A_30)
    %ne3A_31 = arith.constant 15 : i32
    %ne3A_32 = arith.cmpi ne, %arg1, %ne3A_31 : i32
    %convert_element_type3A_33 = arith.extui %ne3A_32 : i1 to i32
    %cond3A_34 = arith.constant 0 : i32
    %cond3A_35 = arith.cmpi ne, %convert_element_type3A_33, %cond3A_34 : i32
    scf.if %cond3A_35 {
      "tpu.region"() ({
        %run_scoped3A = tpu.sem_alloc : memref<!tpu.dma_semaphore, #tpu.memory_space<semaphore_mem>>
        %dma_start3A_41 = arith.constant 0 : i32
        %dma_start3A_42 = tpu.memref_slice %arg6[%multiple_of3A_8, %dma_start3A_41] : memref<20000x128xf32, #tpu.memory_space<hbm>> -> memref<624x128xf32, #tpu.memory_space<hbm>>
        %dma_start3A_43 = arith.constant 0 : i32
        %dma_start3A_44 = tpu.memref_slice %arg13[%multiple_of3A, %dma_start3A_43] : memref<10000x128xf32, #tpu.memory_space<vmem_shared>> -> memref<624x128xf32, #tpu.memory_space<vmem_shared>>
        tpu.enqueue_dma source(%dma_start3A_44 : memref<624x128xf32, #tpu.memory_space<vmem_shared>>) target(%dma_start3A_42 : memref<624x128xf32, #tpu.memory_space<hbm>>) target_semaphore(%run_scoped3A : memref<!tpu.dma_semaphore, #tpu.memory_space<semaphore_mem>>)
        %dma_wait3A_45 = arith.constant 0 : i32
        %dma_wait3A_46 = tpu.memref_slice %arg6[%multiple_of3A_8, %dma_wait3A_45] : memref<20000x128xf32, #tpu.memory_space<hbm>> -> memref<624x128xf32, #tpu.memory_space<hbm>>
        %dma_wait3A_47 = arith.constant 0 : i32
        %dma_wait3A_48 = tpu.memref_slice %arg13[%multiple_of3A, %dma_wait3A_47] : memref<10000x128xf32, #tpu.memory_space<vmem_shared>> -> memref<624x128xf32, #tpu.memory_space<vmem_shared>>
        tpu.wait_dma2 semaphore(%run_scoped3A : memref<!tpu.dma_semaphore, #tpu.memory_space<semaphore_mem>>) src(%dma_wait3A_48 : memref<624x128xf32, #tpu.memory_space<vmem_shared>>) dst(%dma_wait3A_46 : memref<624x128xf32, #tpu.memory_space<hbm>>)
        tpu.yield
      }) : () -> ()
    } else {
    }
    %eq3A_36 = arith.constant 15 : i32
    %eq3A_37 = arith.cmpi eq, %arg1, %eq3A_36 : i32
    %convert_element_type3A_38 = arith.extui %eq3A_37 : i1 to i32
    %cond3A_39 = arith.constant 0 : i32
    %cond3A_40 = arith.cmpi ne, %convert_element_type3A_38, %cond3A_39 : i32
    scf.if %cond3A_40 {
      "tpu.region"() ({
        %run_scoped3A = tpu.sem_alloc : memref<!tpu.dma_semaphore, #tpu.memory_space<semaphore_mem>>
        %dma_start3A_41 = arith.constant 0 : i32
        %dma_start3A_42 = tpu.memref_slice %arg6[%multiple_of3A_8, %dma_start3A_41] : memref<20000x128xf32, #tpu.memory_space<hbm>> -> memref<640x128xf32, #tpu.memory_space<hbm>>
        %dma_start3A_43 = arith.constant 0 : i32
        %dma_start3A_44 = tpu.memref_slice %arg13[%multiple_of3A, %dma_start3A_43] : memref<10000x128xf32, #tpu.memory_space<vmem_shared>> -> memref<640x128xf32, #tpu.memory_space<vmem_shared>>
        tpu.enqueue_dma source(%dma_start3A_44 : memref<640x128xf32, #tpu.memory_space<vmem_shared>>) target(%dma_start3A_42 : memref<640x128xf32, #tpu.memory_space<hbm>>) target_semaphore(%run_scoped3A : memref<!tpu.dma_semaphore, #tpu.memory_space<semaphore_mem>>)
        %dma_wait3A_45 = arith.constant 0 : i32
        %dma_wait3A_46 = tpu.memref_slice %arg6[%multiple_of3A_8, %dma_wait3A_45] : memref<20000x128xf32, #tpu.memory_space<hbm>> -> memref<640x128xf32, #tpu.memory_space<hbm>>
        %dma_wait3A_47 = arith.constant 0 : i32
        %dma_wait3A_48 = tpu.memref_slice %arg13[%multiple_of3A, %dma_wait3A_47] : memref<10000x128xf32, #tpu.memory_space<vmem_shared>> -> memref<640x128xf32, #tpu.memory_space<vmem_shared>>
        tpu.wait_dma2 semaphore(%run_scoped3A : memref<!tpu.dma_semaphore, #tpu.memory_space<semaphore_mem>>) src(%dma_wait3A_48 : memref<640x128xf32, #tpu.memory_space<vmem_shared>>) dst(%dma_wait3A_46 : memref<640x128xf32, #tpu.memory_space<hbm>>)
        tpu.yield
      }) : () -> ()
    } else {
    }
    return
  }
}

module attributes {stable_mosaic.version = 14 : i64} {
  func.func @_tc_body(%arg0: memref<10000x128xf32, #tpu.memory_space<vmem>>, %arg1: memref<20000x128xf32, #tpu.memory_space<vmem>>, %arg2: memref<10000x1xi32, #tpu.memory_space<vmem>>, %arg3: memref<64x32xf32, #tpu.memory_space<vmem>>, %arg4: memref<128x256xf32, #tpu.memory_space<vmem>>, %arg5: memref<1x256xf32, #tpu.memory_space<vmem>>, %arg6: memref<256x256xf32, #tpu.memory_space<vmem>>, %arg7: memref<1x256xf32, #tpu.memory_space<vmem>>, %arg8: memref<256x1xf32, #tpu.memory_space<vmem>>, %arg9: memref<1x1xf32, #tpu.memory_space<vmem>>, %arg10: memref<1x256xf32, #tpu.memory_space<vmem>>, %arg11: memref<1x256xf32, #tpu.memory_space<vmem>>, %arg12: memref<1x256xf32, #tpu.memory_space<vmem>>, %arg13: memref<1x256xf32, #tpu.memory_space<vmem>>, %arg14: memref<32x128xf32, #tpu.memory_space<vmem>>, %arg15: memref<1x128xf32, #tpu.memory_space<vmem>>, %arg16: memref<1x256xf32, #tpu.memory_space<vmem>>, %arg17: memref<1x256xf32, #tpu.memory_space<vmem>>, %arg18: memref<1x256xf32, #tpu.memory_space<vmem>>, %arg19: memref<1x256xf32, #tpu.memory_space<vmem>>, %arg20: memref<1x128xf32, #tpu.memory_space<vmem>>, %arg21: memref<1x128xf32, #tpu.memory_space<vmem>>, %arg22: memref<1x128xf32, #tpu.memory_space<vmem>>, %arg23: memref<1x128xf32, #tpu.memory_space<vmem>>, %arg24: memref<256x10xf32, #tpu.memory_space<vmem>>, %arg25: memref<128x10xf32, #tpu.memory_space<vmem>>, %arg26: memref<1x10xf32, #tpu.memory_space<vmem>>, %arg27: memref<64x10xf32, #tpu.memory_space<vmem>>) attributes {dimension_semantics = [], scalar_prefetch = 0 : i64, scratch_operands = 0 : i64, tpu.core_type = #tpu.core_type<tc>} {
    %get3A = arith.constant 0 : index
    %get3A_0 = arith.constant 0 : index
    %get3A_1 = vector.load %arg0[%get3A, %get3A_0] : memref<10000x128xf32, #tpu.memory_space<vmem>>, vector<10000x128xf32>
    %get3A_2 = arith.constant 0 : index
    %get3A_3 = arith.constant 0 : index
    %get3A_4 = vector.load %arg1[%get3A_2, %get3A_3] : memref<20000x128xf32, #tpu.memory_space<vmem>>, vector<10000x128xf32>
    %get3A_5 = arith.constant 10000 : index
    %get3A_6 = arith.constant 0 : index
    %get3A_7 = vector.load %arg1[%get3A_5, %get3A_6] : memref<20000x128xf32, #tpu.memory_space<vmem>>, vector<10000x128xf32>
    %add3A = arith.addf %get3A_4, %get3A_7 : vector<10000x128xf32>
    %add3A_8 = arith.addf %get3A_1, %add3A : vector<10000x128xf32>
    %get3A_9 = arith.constant 0 : index
    %get3A_10 = arith.constant 0 : index
    %get3A_11 = vector.load %arg4[%get3A_9, %get3A_10] : memref<128x256xf32, #tpu.memory_space<vmem>>, vector<128x256xf32>
    %dot_general3A = arith.constant dense<0.000000e+00> : vector<10000x256xf32>
    %dot_general3A_12 = tpu.matmul %add3A_8, %get3A_11, %dot_general3A {dimension_numbers = #tpu.dot_dimension_numbers<[1], [0], [0], [1], [0, 0, 1, 1], [], []>, transpose_lhs_hint = false} : vector<10000x128xf32>, vector<128x256xf32>, vector<10000x256xf32> -> vector<10000x256xf32>
    %get3A_13 = arith.constant 0 : index
    %get3A_14 = arith.constant 0 : index
    %get3A_15 = vector.load %arg5[%get3A_13, %get3A_14] : memref<1x256xf32, #tpu.memory_space<vmem>>, vector<1x256xf32>
    %add3A_16 = vector.broadcast %get3A_15 : vector<1x256xf32> to vector<10000x256xf32>
    %add3A_17 = arith.addf %dot_general3A_12, %add3A_16 : vector<10000x256xf32>
    %max3A = arith.constant 0.000000e+00 : f32
    %max3A_18 = vector.broadcast %max3A : f32 to vector<10000x256xf32>
    %max3A_19 = arith.maximumf %add3A_17, %max3A_18 : vector<10000x256xf32>
    %get3A_20 = arith.constant 0 : index
    %get3A_21 = arith.constant 0 : index
    %get3A_22 = vector.load %arg6[%get3A_20, %get3A_21] : memref<256x256xf32, #tpu.memory_space<vmem>>, vector<256x256xf32>
    %dot_general3A_23 = arith.constant dense<0.000000e+00> : vector<10000x256xf32>
    %dot_general3A_24 = tpu.matmul %max3A_19, %get3A_22, %dot_general3A_23 {dimension_numbers = #tpu.dot_dimension_numbers<[1], [0], [0], [1], [0, 0, 1, 1], [], []>, transpose_lhs_hint = false} : vector<10000x256xf32>, vector<256x256xf32>, vector<10000x256xf32> -> vector<10000x256xf32>
    %get3A_25 = arith.constant 0 : index
    %get3A_26 = arith.constant 0 : index
    %get3A_27 = vector.load %arg7[%get3A_25, %get3A_26] : memref<1x256xf32, #tpu.memory_space<vmem>>, vector<1x256xf32>
    %add3A_28 = vector.broadcast %get3A_27 : vector<1x256xf32> to vector<10000x256xf32>
    %add3A_29 = arith.addf %dot_general3A_24, %add3A_28 : vector<10000x256xf32>
    %max3A_30 = arith.constant 0.000000e+00 : f32
    %max3A_31 = vector.broadcast %max3A_30 : f32 to vector<10000x256xf32>
    %max3A_32 = arith.maximumf %add3A_29, %max3A_31 : vector<10000x256xf32>
    %get3A_33 = arith.constant 0 : index
    %get3A_34 = arith.constant 0 : index
    %get3A_35 = vector.load %arg8[%get3A_33, %get3A_34] : memref<256x1xf32, #tpu.memory_space<vmem>>, vector<256x1xf32>
    %dot_general3A_36 = arith.constant dense<0.000000e+00> : vector<10000x1xf32>
    %dot_general3A_37 = tpu.matmul %max3A_32, %get3A_35, %dot_general3A_36 {dimension_numbers = #tpu.dot_dimension_numbers<[1], [0], [0], [1], [0, 0, 1, 1], [], []>, transpose_lhs_hint = false} : vector<10000x256xf32>, vector<256x1xf32>, vector<10000x1xf32> -> vector<10000x1xf32>
    %get3A_38 = arith.constant 0 : index
    %get3A_39 = arith.constant 0 : index
    %get3A_40 = vector.load %arg9[%get3A_38, %get3A_39] : memref<1x1xf32, #tpu.memory_space<vmem>>, vector<1x1xf32>
    %add3A_41 = vector.broadcast %get3A_40 : vector<1x1xf32> to vector<10000x1xf32>
    %add3A_42 = arith.addf %dot_general3A_37, %add3A_41 : vector<10000x1xf32>
    %get3A_43 = arith.constant 0 : index
    %get3A_44 = arith.constant 0 : index
    %get3A_45 = vector.load %arg2[%get3A_43, %get3A_44] : memref<10000x1xi32, #tpu.memory_space<vmem>>, vector<10000x1xi32>
    %iota3A = tpu.iota {dimensions = array<i32: 1>} : vector<1x64xi32>
    %eq3A = vector.broadcast %get3A_45 : vector<10000x1xi32> to vector<10000x64xi32>
    %eq3A_46 = vector.broadcast %iota3A : vector<1x64xi32> to vector<10000x64xi32>
    %eq3A_47 = arith.cmpi eq, %eq3A, %eq3A_46 : vector<10000x64xi32>
    %jit3A = arith.constant 0xFF800000 : f32
    %broadcast_in_dim3A = vector.shape_cast %add3A_42 : vector<10000x1xf32> to vector<10000x1xf32>
    %broadcast_in_dim3A_48 = vector.broadcast %broadcast_in_dim3A : vector<10000x1xf32> to vector<10000x64xf32>
    %broadcast_in_dim3A_49 = vector.broadcast %jit3A : f32 to vector<10000x64xf32>
    %select_n3A = arith.select %eq3A_47, %broadcast_in_dim3A_48, %broadcast_in_dim3A_49 : vector<10000x64xi1>, vector<10000x64xf32>
    %reduce_max3A = arith.constant dense<0xFF800000> : vector<64xf32>
    %reduce_max3A_50 = vector.multi_reduction <maximumf>, %select_n3A, %reduce_max3A [0] : vector<10000x64xf32> to vector<64xf32>
    %broadcast_in_dim3A_51 = vector.shape_cast %reduce_max3A_50 : vector<64xf32> to vector<1x64xf32>
    %eq3A_52 = arith.constant 0xFF800000 : f32
    %eq3A_53 = vector.broadcast %eq3A_52 : f32 to vector<1x64xf32>
    %eq3A_54 = arith.cmpf oeq, %broadcast_in_dim3A_51, %eq3A_53 : vector<1x64xf32>
    %jit3A_55 = arith.constant 0.000000e+00 : f32
    %broadcast_in_dim3A_56 = vector.broadcast %jit3A_55 : f32 to vector<1x64xf32>
    %select_n3A_57 = arith.select %eq3A_54, %broadcast_in_dim3A_56, %broadcast_in_dim3A_51 : vector<1x64xi1>, vector<1x64xf32>
    %jit3A_58 = arith.constant 0.000000e+00 : f32
    %broadcast_in_dim3A_59 = vector.shape_cast %select_n3A_57 : vector<1x64xf32> to vector<1x64xf32>
    %broadcast_in_dim3A_60 = vector.broadcast %broadcast_in_dim3A_59 : vector<1x64xf32> to vector<10000x64xf32>
    %broadcast_in_dim3A_61 = vector.broadcast %jit3A_58 : f32 to vector<10000x64xf32>
    %select_n3A_62 = arith.select %eq3A_47, %broadcast_in_dim3A_60, %broadcast_in_dim3A_61 : vector<10000x64xi1>, vector<10000x64xf32>
    %reduce_sum3A = arith.constant dense<0.000000e+00> : vector<10000xf32>
    %reduce_sum3A_63 = vector.multi_reduction <add>, %select_n3A_62, %reduce_sum3A [1] : vector<10000x64xf32> to vector<10000xf32>
    %broadcast_in_dim3A_64 = vector.shape_cast %reduce_sum3A_63 : vector<10000xf32> to vector<10000x1xf32>
    %sub3A = arith.subf %add3A_42, %broadcast_in_dim3A_64 : vector<10000x1xf32>
    %exp3A = math.exp %sub3A : vector<10000x1xf32>
    %jit3A_65 = arith.constant 0.000000e+00 : f32
    %broadcast_in_dim3A_66 = vector.shape_cast %exp3A : vector<10000x1xf32> to vector<10000x1xf32>
    %broadcast_in_dim3A_67 = vector.broadcast %broadcast_in_dim3A_66 : vector<10000x1xf32> to vector<10000x64xf32>
    %broadcast_in_dim3A_68 = vector.broadcast %jit3A_65 : f32 to vector<10000x64xf32>
    %select_n3A_69 = arith.select %eq3A_47, %broadcast_in_dim3A_67, %broadcast_in_dim3A_68 : vector<10000x64xi1>, vector<10000x64xf32>
    %reduce_sum3A_70 = arith.constant dense<0.000000e+00> : vector<64xf32>
    %reduce_sum3A_71 = vector.multi_reduction <add>, %select_n3A_69, %reduce_sum3A_70 [0] : vector<10000x64xf32> to vector<64xf32>
    %broadcast_in_dim3A_72 = vector.shape_cast %reduce_sum3A_71 : vector<64xf32> to vector<1x64xf32>
    %jit3A_73 = arith.constant 0.000000e+00 : f32
    %broadcast_in_dim3A_74 = vector.shape_cast %broadcast_in_dim3A_72 : vector<1x64xf32> to vector<1x64xf32>
    %broadcast_in_dim3A_75 = vector.broadcast %broadcast_in_dim3A_74 : vector<1x64xf32> to vector<10000x64xf32>
    %broadcast_in_dim3A_76 = vector.broadcast %jit3A_73 : f32 to vector<10000x64xf32>
    %select_n3A_77 = arith.select %eq3A_47, %broadcast_in_dim3A_75, %broadcast_in_dim3A_76 : vector<10000x64xi1>, vector<10000x64xf32>
    %reduce_sum3A_78 = arith.constant dense<0.000000e+00> : vector<10000xf32>
    %reduce_sum3A_79 = vector.multi_reduction <add>, %select_n3A_77, %reduce_sum3A_78 [1] : vector<10000x64xf32> to vector<10000xf32>
    %broadcast_in_dim3A_80 = vector.shape_cast %reduce_sum3A_79 : vector<10000xf32> to vector<10000x1xf32>
    %add3A_81 = arith.constant 1.000000e-16 : f32
    %add3A_82 = vector.broadcast %add3A_81 : f32 to vector<10000x1xf32>
    %add3A_83 = arith.addf %broadcast_in_dim3A_80, %add3A_82 : vector<10000x1xf32>
    %div3A = arith.divf %exp3A, %add3A_83 : vector<10000x1xf32>
    %jit3A_84 = arith.constant 0.000000e+00 : f32
    %broadcast_in_dim3A_85 = vector.shape_cast %div3A : vector<10000x1xf32> to vector<10000x1xf32>
    %broadcast_in_dim3A_86 = vector.broadcast %broadcast_in_dim3A_85 : vector<10000x1xf32> to vector<10000x64xf32>
    %broadcast_in_dim3A_87 = vector.broadcast %jit3A_84 : f32 to vector<10000x64xf32>
    %select_n3A_88 = arith.select %eq3A_47, %broadcast_in_dim3A_86, %broadcast_in_dim3A_87 : vector<10000x64xi1>, vector<10000x64xf32>
    %dot_general3A_89 = arith.constant dense<0.000000e+00> : vector<64x256xf32>
    %dot_general3A_90 = tpu.matmul %select_n3A_88, %max3A_32, %dot_general3A_89 {dimension_numbers = #tpu.dot_dimension_numbers<[0], [0], [1], [1], [0, 1, 1, 1], [], []>, transpose_lhs_hint = false} : vector<10000x64xf32>, vector<10000x256xf32>, vector<64x256xf32> -> vector<64x256xf32>
    %get3A_91 = arith.constant 0 : index
    %get3A_92 = arith.constant 0 : index
    %get3A_93 = vector.load %arg12[%get3A_91, %get3A_92] : memref<1x256xf32, #tpu.memory_space<vmem>>, vector<1x256xf32>
    %sub3A_94 = vector.broadcast %get3A_93 : vector<1x256xf32> to vector<64x256xf32>
    %sub3A_95 = arith.subf %dot_general3A_90, %sub3A_94 : vector<64x256xf32>
    %get3A_96 = arith.constant 0 : index
    %get3A_97 = arith.constant 0 : index
    %get3A_98 = vector.load %arg13[%get3A_96, %get3A_97] : memref<1x256xf32, #tpu.memory_space<vmem>>, vector<1x256xf32>
    %add3A_99 = arith.constant 9.99999974E-6 : f32
    %add3A_100 = vector.broadcast %add3A_99 : f32 to vector<1x256xf32>
    %add3A_101 = arith.addf %get3A_98, %add3A_100 : vector<1x256xf32>
    %sqrt3A = math.sqrt %add3A_101 : vector<1x256xf32>
    %div3A_102 = vector.broadcast %sqrt3A : vector<1x256xf32> to vector<64x256xf32>
    %div3A_103 = arith.divf %sub3A_95, %div3A_102 : vector<64x256xf32>
    %get3A_104 = arith.constant 0 : index
    %get3A_105 = arith.constant 0 : index
    %get3A_106 = vector.load %arg10[%get3A_104, %get3A_105] : memref<1x256xf32, #tpu.memory_space<vmem>>, vector<1x256xf32>
    %mul3A = vector.broadcast %get3A_106 : vector<1x256xf32> to vector<64x256xf32>
    %mul3A_107 = arith.mulf %div3A_103, %mul3A : vector<64x256xf32>
    %get3A_108 = arith.constant 0 : index
    %get3A_109 = arith.constant 0 : index
    %get3A_110 = vector.load %arg11[%get3A_108, %get3A_109] : memref<1x256xf32, #tpu.memory_space<vmem>>, vector<1x256xf32>
    %add3A_111 = vector.broadcast %get3A_110 : vector<1x256xf32> to vector<64x256xf32>
    %add3A_112 = arith.addf %mul3A_107, %add3A_111 : vector<64x256xf32>
    %get3A_113 = arith.constant 0 : index
    %get3A_114 = arith.constant 0 : index
    %get3A_115 = vector.load %arg3[%get3A_113, %get3A_114] : memref<64x32xf32, #tpu.memory_space<vmem>>, vector<64x32xf32>
    %get3A_116 = arith.constant 0 : index
    %get3A_117 = arith.constant 0 : index
    %get3A_118 = vector.load %arg14[%get3A_116, %get3A_117] : memref<32x128xf32, #tpu.memory_space<vmem>>, vector<32x128xf32>
    %dot_general3A_119 = arith.constant dense<0.000000e+00> : vector<64x128xf32>
    %dot_general3A_120 = tpu.matmul %get3A_115, %get3A_118, %dot_general3A_119 {dimension_numbers = #tpu.dot_dimension_numbers<[1], [0], [0], [1], [0, 0, 1, 1], [], []>, transpose_lhs_hint = false} : vector<64x32xf32>, vector<32x128xf32>, vector<64x128xf32> -> vector<64x128xf32>
    %get3A_121 = arith.constant 0 : index
    %get3A_122 = arith.constant 0 : index
    %get3A_123 = vector.load %arg15[%get3A_121, %get3A_122] : memref<1x128xf32, #tpu.memory_space<vmem>>, vector<1x128xf32>
    %add3A_124 = vector.broadcast %get3A_123 : vector<1x128xf32> to vector<64x128xf32>
    %add3A_125 = arith.addf %dot_general3A_120, %add3A_124 : vector<64x128xf32>
    %max3A_126 = arith.constant 0.000000e+00 : f32
    %max3A_127 = vector.broadcast %max3A_126 : f32 to vector<64x128xf32>
    %max3A_128 = arith.maximumf %add3A_125, %max3A_127 : vector<64x128xf32>
    %get3A_129 = arith.constant 0 : index
    %get3A_130 = arith.constant 0 : index
    %get3A_131 = vector.load %arg18[%get3A_129, %get3A_130] : memref<1x256xf32, #tpu.memory_space<vmem>>, vector<1x256xf32>
    %sub3A_132 = vector.broadcast %get3A_131 : vector<1x256xf32> to vector<64x256xf32>
    %sub3A_133 = arith.subf %add3A_112, %sub3A_132 : vector<64x256xf32>
    %get3A_134 = arith.constant 0 : index
    %get3A_135 = arith.constant 0 : index
    %get3A_136 = vector.load %arg19[%get3A_134, %get3A_135] : memref<1x256xf32, #tpu.memory_space<vmem>>, vector<1x256xf32>
    %add3A_137 = arith.constant 9.99999974E-6 : f32
    %add3A_138 = vector.broadcast %add3A_137 : f32 to vector<1x256xf32>
    %add3A_139 = arith.addf %get3A_136, %add3A_138 : vector<1x256xf32>
    %sqrt3A_140 = math.sqrt %add3A_139 : vector<1x256xf32>
    %div3A_141 = vector.broadcast %sqrt3A_140 : vector<1x256xf32> to vector<64x256xf32>
    %div3A_142 = arith.divf %sub3A_133, %div3A_141 : vector<64x256xf32>
    %get3A_143 = arith.constant 0 : index
    %get3A_144 = arith.constant 0 : index
    %get3A_145 = vector.load %arg16[%get3A_143, %get3A_144] : memref<1x256xf32, #tpu.memory_space<vmem>>, vector<1x256xf32>
    %mul3A_146 = vector.broadcast %get3A_145 : vector<1x256xf32> to vector<64x256xf32>
    %mul3A_147 = arith.mulf %div3A_142, %mul3A_146 : vector<64x256xf32>
    %get3A_148 = arith.constant 0 : index
    %get3A_149 = arith.constant 0 : index
    %get3A_150 = vector.load %arg17[%get3A_148, %get3A_149] : memref<1x256xf32, #tpu.memory_space<vmem>>, vector<1x256xf32>
    %add3A_151 = vector.broadcast %get3A_150 : vector<1x256xf32> to vector<64x256xf32>
    %add3A_152 = arith.addf %mul3A_147, %add3A_151 : vector<64x256xf32>
    %get3A_153 = arith.constant 0 : index
    %get3A_154 = arith.constant 0 : index
    %get3A_155 = vector.load %arg22[%get3A_153, %get3A_154] : memref<1x128xf32, #tpu.memory_space<vmem>>, vector<1x128xf32>
    %sub3A_156 = vector.broadcast %get3A_155 : vector<1x128xf32> to vector<64x128xf32>
    %sub3A_157 = arith.subf %max3A_128, %sub3A_156 : vector<64x128xf32>
    %get3A_158 = arith.constant 0 : index
    %get3A_159 = arith.constant 0 : index
    %get3A_160 = vector.load %arg23[%get3A_158, %get3A_159] : memref<1x128xf32, #tpu.memory_space<vmem>>, vector<1x128xf32>
    %add3A_161 = arith.constant 9.99999974E-6 : f32
    %add3A_162 = vector.broadcast %add3A_161 : f32 to vector<1x128xf32>
    %add3A_163 = arith.addf %get3A_160, %add3A_162 : vector<1x128xf32>
    %sqrt3A_164 = math.sqrt %add3A_163 : vector<1x128xf32>
    %div3A_165 = vector.broadcast %sqrt3A_164 : vector<1x128xf32> to vector<64x128xf32>
    %div3A_166 = arith.divf %sub3A_157, %div3A_165 : vector<64x128xf32>
    %get3A_167 = arith.constant 0 : index
    %get3A_168 = arith.constant 0 : index
    %get3A_169 = vector.load %arg20[%get3A_167, %get3A_168] : memref<1x128xf32, #tpu.memory_space<vmem>>, vector<1x128xf32>
    %mul3A_170 = vector.broadcast %get3A_169 : vector<1x128xf32> to vector<64x128xf32>
    %mul3A_171 = arith.mulf %div3A_166, %mul3A_170 : vector<64x128xf32>
    %get3A_172 = arith.constant 0 : index
    %get3A_173 = arith.constant 0 : index
    %get3A_174 = vector.load %arg21[%get3A_172, %get3A_173] : memref<1x128xf32, #tpu.memory_space<vmem>>, vector<1x128xf32>
    %add3A_175 = vector.broadcast %get3A_174 : vector<1x128xf32> to vector<64x128xf32>
    %add3A_176 = arith.addf %mul3A_171, %add3A_175 : vector<64x128xf32>
    %get3A_177 = arith.constant 0 : index
    %get3A_178 = arith.constant 0 : index
    %get3A_179 = vector.load %arg24[%get3A_177, %get3A_178] : memref<256x10xf32, #tpu.memory_space<vmem>>, vector<256x10xf32>
    %dot_general3A_180 = arith.constant dense<0.000000e+00> : vector<64x10xf32>
    %dot_general3A_181 = tpu.matmul %add3A_152, %get3A_179, %dot_general3A_180 {dimension_numbers = #tpu.dot_dimension_numbers<[1], [0], [0], [1], [0, 0, 1, 1], [], []>, transpose_lhs_hint = false} : vector<64x256xf32>, vector<256x10xf32>, vector<64x10xf32> -> vector<64x10xf32>
    %get3A_182 = arith.constant 0 : index
    %get3A_183 = arith.constant 0 : index
    %get3A_184 = vector.load %arg25[%get3A_182, %get3A_183] : memref<128x10xf32, #tpu.memory_space<vmem>>, vector<128x10xf32>
    %dot_general3A_185 = arith.constant dense<0.000000e+00> : vector<64x10xf32>
    %dot_general3A_186 = tpu.matmul %add3A_176, %get3A_184, %dot_general3A_185 {dimension_numbers = #tpu.dot_dimension_numbers<[1], [0], [0], [1], [0, 0, 1, 1], [], []>, transpose_lhs_hint = false} : vector<64x128xf32>, vector<128x10xf32>, vector<64x10xf32> -> vector<64x10xf32>
    %add3A_187 = arith.addf %dot_general3A_181, %dot_general3A_186 : vector<64x10xf32>
    %get3A_188 = arith.constant 0 : index
    %get3A_189 = arith.constant 0 : index
    %get3A_190 = vector.load %arg26[%get3A_188, %get3A_189] : memref<1x10xf32, #tpu.memory_space<vmem>>, vector<1x10xf32>
    %add3A_191 = vector.broadcast %get3A_190 : vector<1x10xf32> to vector<64x10xf32>
    %add3A_192 = arith.addf %add3A_187, %add3A_191 : vector<64x10xf32>
    %reduce_max3A_193 = arith.constant dense<0xFF800000> : vector<64xf32>
    %reduce_max3A_194 = vector.multi_reduction <maximumf>, %add3A_192, %reduce_max3A_193 [1] : vector<64x10xf32> to vector<64xf32>
    %broadcast_in_dim3A_195 = vector.shape_cast %reduce_max3A_194 : vector<64xf32> to vector<64x1xf32>
    %sub3A_196 = vector.broadcast %broadcast_in_dim3A_195 : vector<64x1xf32> to vector<64x10xf32>
    %sub3A_197 = arith.subf %add3A_192, %sub3A_196 : vector<64x10xf32>
    %exp3A_198 = math.exp %sub3A_197 : vector<64x10xf32>
    %reduce_sum3A_199 = arith.constant dense<0.000000e+00> : vector<64xf32>
    %reduce_sum3A_200 = vector.multi_reduction <add>, %exp3A_198, %reduce_sum3A_199 [1] : vector<64x10xf32> to vector<64xf32>
    %broadcast_in_dim3A_201 = vector.shape_cast %reduce_sum3A_200 : vector<64xf32> to vector<64x1xf32>
    %log3A = math.log %broadcast_in_dim3A_201 : vector<64x1xf32>
    %add3A_202 = arith.addf %log3A, %broadcast_in_dim3A_195 : vector<64x1xf32>
    %sub3A_203 = vector.broadcast %add3A_202 : vector<64x1xf32> to vector<64x10xf32>
    %sub3A_204 = arith.subf %add3A_192, %sub3A_203 : vector<64x10xf32>
    %swap3A = arith.constant 0 : index
    %swap3A_205 = arith.constant 0 : index
    %swap3A_206 = vector.load %arg27[%swap3A, %swap3A_205] : memref<64x10xf32, #tpu.memory_space<vmem>>, vector<64x10xf32>
    tpu.vector_store %arg27[%swap3A, %swap3A_205], %sub3A_204 {strides = array<i32>} : memref<64x10xf32, #tpu.memory_space<vmem>>, vector<64x10xf32>,
    return
  }
}

</mosaic_0001>

<sc_bundles>
// kernel: kernel.4.cloned.1.call-start
scs
__scs_entry_jumppad:
0x0: {  	(pc) =	sbr.rel $0x88, $3  }
0x1: {  	(tag) =	ssettag $0x0;
	lr =	simm.s32 $0x1  }
0x2: {  	[smem:$0x3F8B] =	sst lr;
	_ =	strace $0xD0000000  }
0x3: {  	_ = 	snop  }
0x4: {  	_ = 	snop  }
0x5: {  	_ = 	snop  }
0x6: {  	_ = 	snop  }
0x7: {  	_ = 	snop  }
__scs_overlays_trampoline_lowered:
0x8: {  	[smem:$0x3F9A] =	sst s0  }
0x9: {  	[smem:$0x3F9B] =	sst s1  }
0xa: {  	[smem:$0x3F9C] =	sst s2  }
0xb: {  	[smem:$0x3F9D] =	sst s3  }
0xc: {  	[smem:$0x3F9E] =	sst s4  }
0xd: {  	[smem:$0x3F9F] =	sst s5  }
0xe: {  	[smem:$0x3FA0] =	sst s6  }
0xf: {  	[smem:$0x3FA1] =	sst s7  }
0x10: {  	[smem:$0x3FA2] =	sst s8  }
0x11: {  	[smem:$0x3FA3] =	sst s9;
	s0 =	simm.s32 @!p0 $0x0  }
0x12: {  	s1 =	sld [smem:$0x3F89];
	s0 =	simm.s32 @p0 $0x1  }
0x13: {  	[smem:$0x3FA4] =	sst s0;
	s0 =	simm.s32 @!p1 $0x0  }
0x14: {  	s2 =	sld [smem:$0x3F88];
	s0 =	simm.s32 @p1 $0x1  }
0x15: {  	[smem:$0x3FA5] =	sst s0;
	s0 =	simm.s32 @!p2 $0x0  }
0x16: {  	s3 =	sld [smem:$0x3FDB];
	s0 =	simm.s32 @p2 $0x1  }
0x17: {  	s4 =	simm.s32 $0x1BF5;
	[smem:$0x3FA7] =	sst s0  }
0x18: {  	s0 =	sld [smem:$0x3F8A];
	_ =	swait.ge [sflag:s4], $0x0  }
0x19: {  	s7 =	sld [smem:$0x3F8B]  }
0x1a: {  	s8 =	sadd.s32 $0xFFFFE003, lr  }
0x1b: {  	s9 =	sadd.s32 $0xFFFFFEF7, lr;
	s5 =	simm.s32 $0xFFFFFFFF;
	p2 =	slt.u32 s8, $0xFFFFF086  }
0x1c: {  	p1 =	slt.u32 s9, $0xF7A;
	s5 =	simm.s32 @!p2 $0x0  }
0x1d: {  	s5 =	simm.s32 @p1 $0x1;
	p0 =	seq.s32 s7, s2  }
0x1e: {  	s7 =	smul.u32 @!p0 $0xF7A, s2;
	p2 =	seq.s32 @!p0 s5, $0x0  }
0x1f: {  	s9 =	smul.u32 $0xF7A, s1;
	s8 =	simm.s32 @!p0 $0x1BF5;
	p2 =	por !p2, p0  }
0x20: {  	[sflag:s8] =	ssyncset.s32 @!p0 $0xFFFFF086;
	s6 =	sadd.s32 @!p0 s3, s7;
	s7 =	simm.s32 @!p0 $0x108  }
0x21: {  	s3 =	sadd.s32 s3, s9;
	s6 =	sadd.s32 @!p0 $0x88, s6;
	s7 =	simm.s32 @p2 $0x1082  }
0x22: {  	[simem:s7], [sflag:s8] =	dma.local @!p0 [hbm:s6], $0xF7A  }
0x23: {  	s9 =	sor.u32 $0xD0000000, s2;
	s6 =	simm.s32 $0x108;
	_ =	swait.ge @!p0 [sflag:s8], $0x0  }
0x24: {  	s3 =	sadd.s32 $0x88, s3;
	s6 =	simm.s32 @!p1 $0x1082;
	[sflag:s4] =	ssyncset.s32 $0xFFFFF086  }
0x25: {  	[simem:s6], [sflag:s4] =	dma.local [hbm:s3], $0xF7A  }
0x26: {  	[smem:$0x3F8B] =	sst s1;
	(tag) =	ssettag s2;
	_ =	strace s9  }
0x27: {  	s1 =	sld [smem:$0x3F9B]  }
0x28: {  	s2 =	sld [smem:$0x3F9C]  }
0x29: {  	s4 =	sld [smem:$0x3F9E]  }
0x2a: {  	p0 =	seq.s32 s5, $0x0;
	s5 =	sld [smem:$0x3F9F]  }
0x2b: {  	s6 =	sld [smem:$0x3FA0]  }
0x2c: {  	s7 =	sld [smem:$0x3FA1]  }
0x2d: {  	s3 =	simm.s32 $0x108;
	s8 =	sld [smem:$0x3FA2]  }
0x2e: {  	s3 =	simm.s32 @!p0 $0x1082;
	s9 =	sld [smem:$0x3FA3]  }
0x2f: {  	lr =	sadd.s32 s0, s3;
	s0 =	sld [smem:$0x3F9A]  }
0x30: {  	s3 =	sld [smem:$0x3F9D]  }
0x31: {  	[smem:$0x3FA6] =	sst s10  }
0x32: {  	s10 =	sld [smem:$0x3FA4];
	_ =	sdelay $0x3  }
0x33: {  	p0 =	seq.s32 s10, $0x1;
	s10 =	sld [smem:$0x3FA6];
	_ =	sdelay $0x3  }
0x34: {  	[smem:$0x3FA6] =	sst s10  }
0x35: {  	s10 =	sld [smem:$0x3FA5];
	_ =	sdelay $0x3  }
0x36: {  	p1 =	seq.s32 s10, $0x1;
	s10 =	sld [smem:$0x3FA6];
	_ =	sdelay $0x3  }
0x37: {  	[smem:$0x3FA6] =	sst s10  }
0x38: {  	s10 =	sld [smem:$0x3FA7]  }
0x39: {  	_ = 	snop;
	(pc) =	sbr.ind lr, $3  }
0x3a: {  	_ = 	snop  }
0x3b: {  	_ = 	snop  }
0x3c: {  	p2 =	seq.s32 s10, $0x1;
	s10 =	sld [smem:$0x3FA6]  }
0x3d: {  	_ =	shalt  }
0x3e: {  	_ =	shalt  }
0x3f: {  	_ =	shalt  }
0x40: {  	_ =	shalt  }
0x41: {  	_ =	shalt  }
0x42: {  	_ =	shalt  }
0x43: {  	_ =	shalt  }
0x44: {  	_ =	shalt  }
0x45: {  	_ =	shalt  }
0x46: {  	_ =	shalt  }
0x47: {  	_ =	shalt  }
0x48: {  	_ =	shalt  }
0x49: {  	_ =	shalt  }
0x4a: {  	_ =	shalt  }
0x4b: {  	_ =	shalt  }
0x4c: {  	_ =	shalt  }
0x4d: {  	_ =	shalt  }
0x4e: {  	_ =	shalt  }
0x4f: {  	_ =	shalt  }
0x50: {  	_ =	shalt  }
0x51: {  	_ =	shalt  }
0x52: {  	_ =	shalt  }
0x53: {  	_ =	shalt  }
0x54: {  	_ =	shalt  }
0x55: {  	_ =	shalt  }
0x56: {  	_ =	shalt  }
0x57: {  	_ =	shalt  }
0x58: {  	_ =	shalt  }
0x59: {  	_ =	shalt  }
0x5a: {  	_ =	shalt  }
0x5b: {  	_ =	shalt  }
0x5c: {  	_ =	shalt  }
0x5d: {  	_ =	shalt  }
0x5e: {  	_ =	shalt  }
0x5f: {  	_ =	shalt  }
0x60: {  	_ =	shalt  }
0x61: {  	_ =	shalt  }
0x62: {  	_ =	shalt  }
0x63: {  	_ =	shalt  }
0x64: {  	_ =	shalt  }
0x65: {  	_ =	shalt  }
0x66: {  	_ =	shalt  }
0x67: {  	_ =	shalt  }
0x68: {  	_ =	shalt  }
0x69: {  	_ =	shalt  }
0x6a: {  	_ =	shalt  }
0x6b: {  	_ =	shalt  }
0x6c: {  	_ =	shalt  }
0x6d: {  	_ =	shalt  }
0x6e: {  	_ =	shalt  }
0x6f: {  	_ =	shalt  }
0x70: {  	_ =	shalt  }
0x71: {  	_ =	shalt  }
0x72: {  	_ =	shalt  }
0x73: {  	_ =	shalt  }
0x74: {  	_ =	shalt  }
0x75: {  	_ =	shalt  }
0x76: {  	_ =	shalt  }
0x77: {  	_ =	shalt  }
0x78: {  	_ =	shalt  }
0x79: {  	_ =	shalt  }
0x7a: {  	_ =	shalt  }
0x7b: {  	_ =	shalt  }
0x7c: {  	_ =	shalt  }
0x7d: {  	_ =	shalt  }
0x7e: {  	_ =	shalt  }
0x7f: {  	_ =	shalt  }
0x80: {  	_ =	shalt  }
0x81: {  	_ =	shalt  }
0x82: {  	_ =	shalt  }
0x83: {  	_ =	shalt  }
0x84: {  	_ =	shalt  }
0x85: {  	_ =	shalt  }
0x86: {  	_ =	shalt  }
0x87: {  	_ =	shalt  }
.Lfunc_end0:
.L_simem_size_0:
called_computation_lowered:
.L_overlay_start_0:
0x88: {  	s2 =	sld [smem:$0x3FD9]  }
0x89: {  	s3 =	sld [smem:$0x3FFE];
	_ =	sdelay $0x1  }
0x8a: {  	s1 =	srdreg.scid  }
0x8b: {  	s0 =	sand.u32 $0x1, s1  }
0x8c: {  	s17 =	sshll.u32 s0, $0xA;
	s2 =	sadd.s32 s3, s2  }
0x8d: {  	s2 =	sadd.s32 s2, s17  }
0x8e: {  	[smem:$0x3FB2] =	sst s2  }
0x8f: {  	_ = 	snop  }
0x90: {  	s2 =	sld [smem:$0x3FC9];
	(tm) =	ssettm $0x1  }
0x91: {  	s18 =	sld [smem:$0x3FFB];
	_ =	sdelay $0x3  }
0x92: {  	_ =	strace s18  }
0x93: {  	s3 =	sld [smem:$0x3FFC];
	_ =	sdelay $0x3  }
0x94: {  	_ =	strace s3  }
0x95: {  	s3 =	sld [smem:$0x3FFD];
	_ =	sdelay $0x3  }
0x96: {  	_ =	strace s3  }
0x97: {  	_ =	strace $0x8FFFFFFF  }
0x98: {  	s19 =	sld [smem:$0x3FDB];
	_ =	sdelay $0x1  }
0x99: {  	s4 =	simm.s32 $_scs_section_size  }
0x9a: {  	s5 =	simm.s32 $_size__tile_overlayer_lowered;
	s6 =	simm.s32 $_tile_overlayer_lowered  }
0x9b: {  	s22 =	simm.s32 $0x1BFF;
	s21 =	sshll.u32 s6, $0x1;
	s3 =	sadd.s32 s4, s19  }
0x9c: {  	s7 =	simm.s32 $0x0;
	s20 =	sshll.u32 s5, $0x1;
	s5 =	sadd.s32 s21, s3  }
0x9d: {  	[timem:s7], [sflag:s22] =	dma.local [hbm:s5], s20  }
0x9e: {  	_ =	swait.ge [sflag:s22], s20  }
0x9f: {  	s4 =	ssub.s32 $0x0, s20;
	[sflag:s22] =	ssyncset.done $0x0  }
0xa0: {  	[sflag:s22] =	ssyncadd.s32 s4;
	_ =	sdelay $0x1  }
0xa1: {  	s23 =	simm.s32 $0x1B8B  }
0xa2: {  	_ =	swait.ge [sflag:s23], $0x1  }
0xa3: {  	[sflag:s23] =	ssyncset.done $0x0  }
0xa4: {  	s25 =	simm.s32 $0x1B8E;
	s24 =	sld [smem:$0x3FFE];
	[sflag:s23] =	ssyncadd.s32 $0xFFFFFFFF  }
0xa5: {  	s26 =	simm.s32 $execute0_lowered;
	[smem:$0x3FD2] =	sst s25  }
0xa6: {  	s5 =	sshll.u32 s26, $0x1;
	_ =	strace $0x80000046;
	[dreg:$0x1] =	wrdreg $0xFFFFFFFF  }
0xa7: {  	s28 =	simm.s32 $_size_execute0_lowered;
	s3 =	sadd.s32 s3, s5;
	[dreg:$0x0] =	wrdreg $0x0  }
0xa8: {  	s5 =	sshll.u32 s28, $0x1;
	[dreg:$0x2] =	wrdreg s3  }
0xa9: {  	[dreg:$0x3] =	wrdreg s5  }
0xaa: {  	[dreg:$0x4] =	wrdreg $0xC0  }
0xab: {  	_ =	task [dreg:s7], $0x5FFFF  }
0xac: {  	[dreg:$0x1] =	wrdreg $0xFFFFFFFF  }
0xad: {  	[dreg:$0x0] =	wrdreg $0x60  }
0xae: {  	[dreg:$0x2] =	wrdreg s2  }
0xaf: {  	[dreg:$0x3] =	wrdreg s24  }
0xb0: {  	[dreg:$0x4] =	wrdreg $0x4A000  }
0xb1: {  	[dreg:$0x5] =	wrdreg $0x9  }
0xb2: {  	_ =	task.clear_ibuf [dreg:s7], $0x6FFFF;
	_ =	strace $0x90000046  }
0xb3: {  	s29 =	simm.s32 $0x9;
	_ =	strace $0x80000048  }
0xb4: {  	_ =	swait.ge [sflag:s29], $0x1  }
0xb5: {  	[sflag:s29] =	ssyncadd.s32 $0xFFFFFFFF  }
0xb6: {  	_ =	strace $0x90000048  }
0xb7: {  	_ =	sfence  }
0xb8: {  	s30 =	sld [smem:$0x0];
	_ =	sdelay $0x2  }
0xb9: {  	s31 =	sshll.u32 s1, $0xD;
	s1 =	sshrl.u32 s1, $0x2  }
0xba: {  	s3 =	sand.u32 $0x4000, s31;
	s1 =	sadd.s32 s1, s30  }
0xbb: {  	s0 =	sor.u32 s3, s0;
	s1 =	sshll.u32 s1, $0x11  }
0xbc: {  	s0 =	sor.u32 s1, s0  }
0xbd: {  	s0 =	sadd.s32 $0x8F2B, s0  }
0xbe: {  	[sflag:s0] =	ssyncadd.remote.s32 $0x1  }
0xbf: {  	_ =	sfence.sel $0xFFFF  }
0xc0: {  	[dreg:$0x0] =	wrdreg $0xFFFFFFFF;
	(pc) =	sbr.abs _section_cstart, $3  }
0xc1: {  	[dreg:$0x1] =	wrdreg $0xFFFFFFFF  }
0xc2: {  	_ =	task.clear_ibuf [dreg:s7], $0x2FFFF;
	_ =	strace $0x9FFFFFFF  }
0xc3: {  	(tm) =	ssettm $0x7FFFFFFF  }
tec
execute0_lowered:
.L_overlay_start_1:
0x0: {  	(tag) =	ssettag $0x1  }
0x1: {  	s1 =	rddreg [dreg:$0x0]  }
0x2: {  	s6 =	rddreg [dreg:$0x1]  }
0x3: {  	s3 =	rddreg [dreg:$0x2]  }
0x4: {  	s0 =	rddreg [dreg:$0x3];
	s4 =	simm.s32 $0x0;
	s5 =	srdreg.scid  }
0x5: {  	s2 =	stileid.u32;
	s17 =	simm.s32 $0x100;
	s18 =	simm.s32 $0x1  }
0x6: {  	s19 =	simm.s32 $0x4100;
	s20 =	simm.s32 $0x4180;
	s21 =	simm.s32 $0x10  }
0x7: {  	[smem:$0x7FF] =	sst s4;
	s7 =	sand.u32 $0x1, s5;
	s8 =	smul.u32 $0x270, s2  }
0x8: {  	s11 =	sadd.s32 $0xD400, s6;
	s10 =	sadd.s32 $0x3600, s6;
	s13 =	smul.u32 $0x4E000, s2  }
0x9: {  	s5 =	sadd.s32 $0x17200, s6;
	s14 =	smul.u32 $0x2710, s2;
	s16 =	sadd.s32 $0x124800, s3  }
0xa: {  	p0 =	seq.s32 s2, $0xF;
	_ =	strace $0x80000047;
	s9 =	smul.u32 $0x2710, s7  }
0xb: {  	s12 =	sshll.u32 s7, $0x4;
	s23 =	ssub.s32 $0x2, s7;
	s26 =	smul.u32 $0x27100, s7  }
0xc: {  	s22 =	sor.u32 s2, s12;
	s24 =	sshrl.u32 s23, $0x1;
	s28 =	sshrl.u32 s13, $0x2  }
0xd: {  	s13 =	sshll.u32 @!p0 s2, $0x6;
	s8 =	sadd.s32 s8, s9;
	s9 =	smul.u32 $0x2710, s22  }
0xe: {  	s12 =	ssub.s32 s23, s24;
	s15 =	sadd.s32 s28, s3;
	s30 =	sadd.s32 s14, s26  }
0xf: {  	s13 =	sor.u32 @!p0 $0x1C02, s13;
	s22 =	simm.s32 $0x4200;
	s23 =	simm.s32 $0x0  }
0x10: {  	s8 =	sshll.u32 s8, $0x4;
	s31 =	sshrl.u32 s30, $0x3;
	s14 =	sshrl.u32 @!p0 s15, $0x3  }
0x11: {  	s15 =	simm.s32 $0x2;
	s8 =	sadd.s32 s8, s6;
	s25 =	sshrl.u32 s9, $0x3  }
0x12: {  	s9 =	smax.u32 s12, $0x1;
	s12 =	sshrl.u32 @p0 s16, $0x3;
	s29 =	sadd.s32 $0x4E0, s25  }
0x13: {  	s16 =	simm.s32 $0x80;
	s8 =	sadd.s32 $0x19A00, s8;
	s6 =	sadd.s32 s11, s29  }
0x14: {  	s7 =	sadd.s32 s10, s29;
	s10 =	sadd.s32 s31, s10;
	s11 =	sadd.s32 s31, s11  }
.LBB2_1:
0x15: {  	s24 =	simm.s32 @p0 $0x1FC2  }
0x16: {  	[spmem:s12], [sflag:s24] =	dma.local @p0 [hbm:s5], $0x2800  }
0x17: {  	s24 =	simm.s32 @p0 $0x2  }
0x18: {  	_ =	swait.ge @p0 [sflag:s24], $0x2800  }
0x19: {  	[sflag:s24] =	ssyncset.done @p0 $0x0  }
0x1a: {  	[sflag:s24] =	ssyncadd.s32 @p0 $0xFFFFD800;
	s24 =	simm.s32 @!p0 $0x2  }
0x1b: {  	[spmem:s14], [sflag:s13] =	dma.local @!p0 [hbm:s5], $0x2700  }
0x1c: {  	_ =	swait.ge @!p0 [sflag:s24], $0x2700  }
0x1d: {  	[sflag:s24] =	ssyncset.done @!p0 $0x0  }
0x1e: {  	[sflag:s24] =	ssyncadd.s32 @!p0 $0xFFFFD900  }
0x1f: {  	s30 =	sadd.s32 $0x0, s11;
	[bflag:$0x0] =	sbarrier.arrive $0xFFFF  }
0x20: {  	[tilespmem:s4], [sflag:$0x2] =	stream.linear.gather [hbm4b:s30+s4], $0x80, $0x38;
	[tilespmem:$0x18280] =	vst v63  }
0x21: {  	_ =	swait.ge [sflag:s15], $0x80  }
0x22: {  	[sflag:s15] =	ssyncset.done $0x0  }
0x23: {  	s31 =	sadd.s32 $0x0, s10;
	[sflag:s15] =	ssyncadd.s32 $0xFFFFFF80  }
0x24: {  	[tilespmem:s16], [sflag:$0x2] =	stream.linear.gather [hbm4b:s31+s4], $0x80, $0x38;
	[tilespmem:$0x18280] =	vst v63  }
0x25: {  	_ =	swait.ge [sflag:s15], $0x80  }
0x26: {  	[sflag:s15] =	ssyncset.done $0x0  }
0x27: {  	[sflag:s15] =	ssyncadd.s32 $0xFFFFFF80  }
0x28: {  	[tilespmem:s17], [sflag:$0x1] =	stream.indirect.gather [hbm4b:s1+s16], $0x80, s4, s16, $0xb8;
	[tilespmem:$0x18280] =	vst v63  }
0x29: {  	_ =	swait.ge [sflag:s18], $0x4000  }
0x2a: {  	[sflag:s18] =	ssyncset.done $0x0  }
0x2b: {  	[sflag:s18] =	ssyncadd.s32 $0xFFFFC000  }
0x2c: {  	[spmem:s3] =	stream.indirect.scatter.add.f32 [tilespmem:s17], [sflag:$0x2], $0x80, s16, s16, $0xb8;
	[tilespmem:$0x18280] =	vst v63  }
0x2d: {  	_ =	swait.ge [sflag:s15], $0x4000  }
0x2e: {  	s25 =	simm.s32 $0x20;
	s24 =	simm.s32 $0x10;
	[sflag:s15] =	ssyncset.done $0x0  }
.LBB2_2:
0x2f: {  	s26 =	sadd.s32 s24, s11  }
0x30: {  	[sflag:s15] =	ssyncadd.s32 $0xFFFFC000;
	s28 =	smov.u32 s25;
	s29 =	sadd.s32 $0x10, s25  }
0x31: {  	[tilespmem:s4], [sflag:$0x2] =	stream.linear.gather [hbm4b:s26+s4], $0x80, $0x38;
	[tilespmem:$0x18280] =	vst v63  }
0x32: {  	p1 =	sne.s32 s25, $0x4D0;
	_ =	swait.ge [sflag:s15], $0x80  }
0x33: {  	[sflag:s15] =	ssyncset.done $0x0  }
0x34: {  	s25 =	sadd.s32 s24, s10;
	s24 =	smov.u32 s28;
	[sflag:s15] =	ssyncadd.s32 $0xFFFFFF80  }
0x35: {  	[tilespmem:s16], [sflag:$0x2] =	stream.linear.gather [hbm4b:s25+s4], $0x80, $0x38;
	[tilespmem:$0x18280] =	vst v63  }
0x36: {  	_ =	swait.ge [sflag:s15], $0x80  }
0x37: {  	[sflag:s15] =	ssyncset.done $0x0  }
0x38: {  	[sflag:s15] =	ssyncadd.s32 $0xFFFFFF80  }
0x39: {  	[tilespmem:s17], [sflag:$0x1] =	stream.indirect.gather [hbm4b:s1+s16], $0x80, s4, s16, $0xb8;
	[tilespmem:$0x18280] =	vst v63  }
0x3a: {  	_ =	swait.ge [sflag:s18], $0x4000  }
.Ltmp0:
0x3b: {  	[sflag:s18] =	ssyncset.done $0x0;
	(pc) =	sbr.rel @p1 .LBB2_2-.Ltmp0, $4  }
0x3c: {  	[sflag:s18] =	ssyncadd.s32 $0xFFFFC000  }
0x3d: {  	[spmem:s3] =	stream.indirect.scatter.add.f32 [tilespmem:s17], [sflag:$0x2], $0x80, s16, s16, $0xb8;
	[tilespmem:$0x18280] =	vst v63  }
0x3e: {  	_ =	swait.ge [sflag:s15], $0x4000  }
0x3f: {  	s25 =	smov.u32 s29;
	[sflag:s15] =	ssyncset.done $0x0  }
0x40: {  	s25 =	sadd.s32 s24, s11;
	[sflag:s15] =	ssyncadd.s32 $0xFFFFC000  }
0x41: {  	[tilespmem:s4], [sflag:$0x2] =	stream.linear.gather [hbm4b:s25+s4], $0x80, $0x38;
	[tilespmem:$0x18280] =	vst v63  }
0x42: {  	_ =	swait.ge [sflag:s15], $0x80  }
0x43: {  	[sflag:s15] =	ssyncset.done $0x0  }
0x44: {  	s31 =	sadd.s32 s24, s10;
	[sflag:s15] =	ssyncadd.s32 $0xFFFFFF80  }
0x45: {  	[tilespmem:s16], [sflag:$0x2] =	stream.linear.gather [hbm4b:s31+s4], $0x80, $0x38;
	[tilespmem:$0x18280] =	vst v63  }
0x46: {  	_ =	swait.ge [sflag:s15], $0x80  }
0x47: {  	[sflag:s15] =	ssyncset.done $0x0  }
0x48: {  	[sflag:s15] =	ssyncadd.s32 $0xFFFFFF80  }
0x49: {  	[tilespmem:s17], [sflag:$0x1] =	stream.indirect.gather [hbm4b:s1+s16], $0x80, s4, s16, $0xb8;
	[tilespmem:$0x18280] =	vst v63  }
0x4a: {  	_ =	swait.ge [sflag:s18], $0x4000  }
0x4b: {  	[sflag:s18] =	ssyncset.done $0x0  }
0x4c: {  	[sflag:s18] =	ssyncadd.s32 $0xFFFFC000  }
0x4d: {  	[spmem:s3] =	stream.indirect.scatter.add.f32 [tilespmem:s17], [sflag:$0x2], $0x80, s16, s16, $0xb8;
	[tilespmem:$0x18280] =	vst v63  }
0x4e: {  	_ =	swait.ge [sflag:s15], $0x4000  }
0x4f: {  	[sflag:s15] =	ssyncset.done $0x0  }
0x50: {  	[sflag:s15] =	ssyncadd.s32 $0xFFFFC000  }
0x51: {  	[tilespmem:s19], [sflag:$0x2] =	stream.linear.gather [hbm4b:s6+s4], $0x10, $0x38;
	[tilespmem:$0x18280] =	vst v63  }
0x52: {  	_ =	swait.ge [sflag:s15], $0x10  }
0x53: {  	[sflag:s15] =	ssyncset.done $0x0  }
0x54: {  	[sflag:s15] =	ssyncadd.s32 $0xFFFFFFF0  }
0x55: {  	[tilespmem:s20], [sflag:$0x2] =	stream.linear.gather [hbm4b:s7+s4], $0x10, $0x38;
	[tilespmem:$0x18280] =	vst v63  }
0x56: {  	_ =	swait.ge [sflag:s15], $0x10  }
0x57: {  	[sflag:s15] =	ssyncset.done $0x0  }
0x58: {  	[sflag:s15] =	ssyncadd.s32 $0xFFFFFFF0  }
0x59: {  	[tilespmem:s22], [sflag:$0x1] =	stream.indirect.gather [hbm4b:s1+s21], $0x80, s19, s21, $0xb8;
	[tilespmem:$0x18280] =	vst v63  }
0x5a: {  	_ =	swait.ge [sflag:s18], $0x800  }
0x5b: {  	[sflag:s18] =	ssyncset.done $0x0  }
0x5c: {  	[sflag:s18] =	ssyncadd.s32 $0xFFFFF800  }
0x5d: {  	[spmem:s3] =	stream.indirect.scatter.add.f32 [tilespmem:s22], [sflag:$0x2], $0x80, s20, s21, $0xb8;
	[tilespmem:$0x18280] =	vst v63  }
0x5e: {  	_ =	swait.ge [sflag:s15], $0x800  }
0x5f: {  	[sflag:s15] =	ssyncset.done $0x0  }
0x60: {  	[sflag:s15] =	ssyncadd.s32 $0xFFFFF800  }
0x61: {  	s24 =	simm.s32 @p0 $0x1FC2;
	[bflag:$0x0] =	sbarrier.arrive $0xFFFF  }
0x62: {  	[hbm:s8], [sflag:s24] =	dma.local @p0 [spmem:s12], $0x2800  }
0x63: {  	s24 =	simm.s32 @p0 $0x2  }
0x64: {  	s23 =	sadd.s32 $0x1, s23;
	_ =	swait.ge @p0 [sflag:s24], $0x2800  }
0x65: {  	p1 =	sne.s32 s23, s9;
	[sflag:s24] =	ssyncset.done @p0 $0x0  }
.Ltmp1:
0x66: {  	[sflag:s24] =	ssyncadd.s32 @p0 $0xFFFFD800;
	s24 =	simm.s32 @!p0 $0x2;
	(pc) =	sbr.rel @p1 .LBB2_1-.Ltmp1, $4  }
0x67: {  	[hbm:s8], [sflag:s13] =	dma.local @!p0 [spmem:s14], $0x2700  }
0x68: {  	_ =	swait.ge @!p0 [sflag:s24], $0x2700  }
0x69: {  	[sflag:s24] =	ssyncset.done @!p0 $0x0  }
0x6a: {  	[sflag:s24] =	ssyncadd.s32 @!p0 $0xFFFFD900  }
0x6b: {  	_ =	sfence.sel $0x180000  }
0x6c: {  	[bflag:$0x0] =	sbarrier.arrive $0xFFFF  }
0x6d: {  	p0 =	sne.s32 s2, $0x0;
	_ =	strace $0x90000047  }
0x6e: {  	s0 =	sadd.s32 @!p0 $0x100000, s0;
	[bflag:$0x2] =	sbarrier.arrive $0xFFFF  }
0x6f: {  	[sflag:s0] =	ssyncadd.tile.s32 @!p0 $0x1;
	_ =	shalt  }
.Lfunc_end2:
_tile_overlayer_lowered:
.L_overlay_start_2:
0x70: {  	(tag) =	ssettag $0x2  }
0x71: {  	s0 =	rddreg [dreg:$0x0];
	s2 =	stileid.u32  }
0x72: {  	s1 =	rddreg [dreg:$0x1];
	p0 =	sne.s32 s2, $0x0  }
0x73: {  	s3 =	rddreg [dreg:$0x2];
	[bflag:$0x3] =	sbarrier.arrive $0xFFFF;
	s2 =	simm.s32 @!p0 $0x1C02  }
0x74: {  	[timem:s3], [sflag:s2] =	dma.local @!p0 [hbm:s0], s1  }
0x75: {  	s0 =	simm.s32 @!p0 $0x2  }
0x76: {  	_ =	swait.ge @!p0 [sflag:s0], s1  }
0x77: {  	s1 =	ssub.s32 @!p0 $0x0, s1;
	[sflag:s0] =	ssyncset.done @!p0 $0x0  }
0x78: {  	[sflag:s0] =	ssyncadd.s32 @!p0 s1  }
0x79: {  	[bflag:$0x3] =	sbarrier.arrive $0xFFFF  }
0x7a: {  	_ =	shalt  }

</sc_bundles>
